<compile_context>
chip_gen: v7x
topology: tpu7x:2x2x1
jax: 0.10.2.dev20260603
libtpu: 0.0.44.dev20260713+nightly
codegen_flags: <defaults>
</compile_context>

<pallas_src>
import jax
import jax.numpy as jnp
from jax import lax
from jax.experimental import pallas as pl
from jax.experimental.pallas import tpu as pltpu, tpu_sc as plsc

import functools


_LANES = 16


def _make_sc_gather(n_layers, B, S, D):
    assert 8 + B <= _LANES and D % 128 == 0
    base = (n_layers - 1) * B * S

    mesh = plsc.VectorSubcoreMesh(core_axis_name="c", subcore_axis_name="s",
                                  num_cores=1, num_subcores=3)

    @functools.partial(
        pl.kernel,
        mesh=mesh,
        out_type=jax.ShapeDtypeStruct((B, 3 * D), jnp.float32),
        scratch_types=[
            pltpu.VMEM((_LANES,), jnp.int32),
            pltpu.VMEM((_LANES,), jnp.int32),
            pltpu.VMEM((B, D), jnp.float32),
            pltpu.SemaphoreType.DMA,
        ],
    )
    def sc_gather(table_hbm, idx1_hbm, idx2_hbm, out_hbm,
                  pos_v, ridx, rows, sem):
        tid = lax.axis_index("s")
        ramp = base + (lax.iota(jnp.int32, _LANES) - 8) * S

        def column(col, idx_hbm):
            if idx_hbm is not None:
                pltpu.sync_copy(idx_hbm, pos_v.at[pl.ds(8, B)])
                ridx[...] = ramp + pos_v[...]
            else:
                ridx[...] = ramp
            pltpu.async_copy(
                table_hbm.at[ridx.at[pl.ds(8, B)]], rows, sem).wait()
            pltpu.sync_copy(rows, out_hbm.at[:, pl.ds(col * D, D)])

        @pl.when(tid == 0)
        def _():
            column(0, None)

        @pl.when(tid == 1)
        def _():
            column(1, idx1_hbm)

        @pl.when(tid == 2)
        def _():
            column(2, idx2_hbm)

    return sc_gather


def kernel(feature, idx1, idx2):
    n_layers, B, S, D = feature.shape
    table = feature.reshape(n_layers * B * S, D)
    sc_gather = _make_sc_gather(n_layers, B, S, D)
    return sc_gather(table, idx1.astype(jnp.int32), idx2.astype(jnp.int32))

# --- scband reference (transcript-rebuilt; emitter-appended) ---
"""Pipeline reference for scband-feature-concate-module-46574625358058 (READ-ONLY COPY).

The authoritative reference and input builder live on the scoring server;
editing this copy changes nothing except your own understanding.
"""

import jax, jax.numpy as jnp
import numpy as np


def setup_inputs(seed: int = 0) -> dict:
    key = jax.random.key(seed)
    k1, k2, k3 = jax.random.split(key, 3)
    feature = jax.random.normal(k1, (2, 4, 2048, 1024), dtype=jnp.float32)
    idx1 = jax.random.randint(k2, (4,), 0, 2048, dtype=jnp.int64 if jax.config.jax_enable_x64 else jnp.int32)
    idx2 = jax.random.randint(k3, (4,), 0, 2048, dtype=jnp.int64 if jax.config.jax_enable_x64 else jnp.int32)
    return {"feature": feature, "idx1": idx1, "idx2": idx2}


def reference(feature, idx1, idx2):
    # last layer of stacked hidden states: [B, S, D]
    last_layer = feature[-1]
    B, S, D = last_layer.shape
    # CLS token embedding: [B, D]
    emb = last_layer[:, 0, :]
    # gather along sequence dim at idx1 / idx2 -> [B, 1, D] -> [B, D]
    idx1_e = jnp.broadcast_to(idx1[:, None, None], (B, 1, D))
    idx2_e = jnp.broadcast_to(idx2[:, None, None], (B, 1, D))
    word1_emb = jnp.take_along_axis(last_layer, idx1_e, axis=1).squeeze(axis=1)
    word2_emb = jnp.take_along_axis(last_layer, idx2_e, axis=1).squeeze(axis=1)
    out = jnp.concatenate([emb, word1_emb, word2_emb], axis=-1)
    return out

if __name__ == "__main__":
    import jax
    _d = setup_inputs()
    print(jax.jit(kernel)(*tuple(_d.values())))

</pallas_src>

<mosaic_0001>
#map = affine_map<(d0, d1) -> (0, 0)>
#map1 = affine_map<(d0, d1) -> (0)>
module attributes {stable_mosaic.version = 14 : i64} {
  func.func @sc_gather(%arg0: i32, %arg1: i32, %arg2: memref<16384x1024xf32, #tpu.memory_space<hbm>>, %arg3: memref<4xi32, #tpu.memory_space<hbm>>, %arg4: memref<4xi32, #tpu.memory_space<hbm>>, %arg5: memref<4x3072xf32, #tpu.memory_space<hbm>>, %arg6: memref<16xi32, #tpu.memory_space<vmem>>, %arg7: memref<16xi32, #tpu.memory_space<vmem>>, %arg8: memref<4x1024xf32, #tpu.memory_space<vmem>>, %arg9: memref<!tpu.dma_semaphore, #tpu.memory_space<semaphore_mem>>) attributes {dimension_semantics = [#tpu.dimension_semantics<core_parallel>, #tpu.dimension_semantics<subcore_parallel>], iteration_bounds = array<i64: 1, 3>, scalar_prefetch = 0 : i64, scratch_operands = 4 : i64, tpu.core_type = #tpu.core_type<sc_vector_subcore>, window_params = [{transform_indices = #map}, {transform_indices = #map1}, {transform_indices = #map1}, {transform_indices = #map}]} {
    %iota3A = tpu.iota {dimensions = array<i32: 0>} : vector<16xi32>
    %sub3A = arith.constant 8 : i32
    %sub3A_0 = vector.broadcast %sub3A : i32 to vector<16xi32>
    %sub3A_1 = arith.subi %iota3A, %sub3A_0 : vector<16xi32>
    %mul3A = arith.constant 2048 : i32
    %mul3A_2 = vector.broadcast %mul3A : i32 to vector<16xi32>
    %mul3A_3 = arith.muli %sub3A_1, %mul3A_2 : vector<16xi32>
    %add3A = arith.constant 8192 : i32
    %add3A_4 = vector.broadcast %add3A : i32 to vector<16xi32>
    %add3A_5 = arith.addi %add3A_4, %mul3A_3 : vector<16xi32>
    %eq3A = arith.constant 0 : i32
    %eq3A_6 = arith.cmpi eq, %arg1, %eq3A : i32
    %convert_element_type3A = arith.extui %eq3A_6 : i1 to i32
    %cond3A = arith.constant 0 : i32
    %cond3A_7 = arith.cmpi ne, %convert_element_type3A, %cond3A : i32
    scf.if %cond3A_7 {
      %swap3A = arith.constant 0 : index
      %swap3A_18 = tpu.vector_load %arg7[%swap3A] {strides = array<i32>} : memref<16xi32, #tpu.memory_space<vmem>>, vector<16xi32>,
      %swap3A_19 = vector.shape_cast %swap3A_18 : vector<16xi32> to vector<16xi32>
      %swap3A_20 = vector.shape_cast %add3A_5 : vector<16xi32> to vector<16xi32>
      tpu.vector_store %arg7[%swap3A], %swap3A_20 {strides = array<i32>} : memref<16xi32, #tpu.memory_space<vmem>>, vector<16xi32>,
      %dma_start3A = arith.constant 8 : i32
      %dma_start3A_21 = tpu.memref_slice %arg7[%dma_start3A] : memref<16xi32, #tpu.memory_space<vmem>> -> memref<4xi32, #tpu.memory_space<vmem>>
      %dma_start3A_22 = arith.constant 0 : i32
      %dma_start3A_23 = arith.constant 0 : i32
      %dma_start3A_24 = tpu.memref_slice %arg2[%dma_start3A_22, %dma_start3A_23] : memref<16384x1024xf32, #tpu.memory_space<hbm>> -> memref<16384x1024xf32, #tpu.memory_space<hbm>>
      tpu.enqueue_indirect_dma source(%dma_start3A_24 : memref<16384x1024xf32, #tpu.memory_space<hbm>>) target(%arg8 : memref<4x1024xf32, #tpu.memory_space<vmem>>) offsets(%dma_start3A_21 : memref<4xi32, #tpu.memory_space<vmem>>) semaphore(%arg9 : memref<!tpu.dma_semaphore, #tpu.memory_space<semaphore_mem>>)
      %dma_wait3A = arith.constant 8 : i32
      %dma_wait3A_25 = tpu.memref_slice %arg7[%dma_wait3A] : memref<16xi32, #tpu.memory_space<vmem>> -> memref<4xi32, #tpu.memory_space<vmem>>
      %dma_wait3A_26 = arith.constant 0 : i32
      %dma_wait3A_27 = arith.constant 0 : i32
      %dma_wait3A_28 = tpu.memref_slice %arg2[%dma_wait3A_26, %dma_wait3A_27] : memref<16384x1024xf32, #tpu.memory_space<hbm>> -> memref<16384x1024xf32, #tpu.memory_space<hbm>>
      tpu.wait_indirect_dma semaphore(%arg9 : memref<!tpu.dma_semaphore, #tpu.memory_space<semaphore_mem>>) src(%dma_wait3A_28 : memref<16384x1024xf32, #tpu.memory_space<hbm>>) dst(%arg8 : memref<4x1024xf32, #tpu.memory_space<vmem>>)
      "tpu.region"() ({
        %run_scoped3A = tpu.sem_alloc : memref<!tpu.dma_semaphore, #tpu.memory_space<semaphore_mem>>
        %dma_start3A_29 = arith.constant 0 : i32
        %dma_start3A_30 = arith.constant 0 : i32
        %dma_start3A_31 = tpu.memref_slice %arg5[%dma_start3A_29, %dma_start3A_30] : memref<4x3072xf32, #tpu.memory_space<hbm>> -> memref<4x1024xf32, #tpu.memory_space<hbm>>
        %dma_start3A_32 = arith.constant 0 : i32
        %dma_start3A_33 = arith.constant 0 : i32
        %dma_start3A_34 = tpu.memref_slice %arg5[%dma_start3A_32, %dma_start3A_33] : memref<4x3072xf32, #tpu.memory_space<hbm>> -> memref<4x1024xf32, #tpu.memory_space<hbm>>
        tpu.enqueue_dma source(%arg8 : memref<4x1024xf32, #tpu.memory_space<vmem>>) target(%dma_start3A_34 : memref<4x1024xf32, #tpu.memory_space<hbm>>) target_semaphore(%run_scoped3A : memref<!tpu.dma_semaphore, #tpu.memory_space<semaphore_mem>>)
        %dma_wait3A_35 = arith.constant 0 : i32
        %dma_wait3A_36 = arith.constant 0 : i32
        %dma_wait3A_37 = tpu.memref_slice %arg5[%dma_wait3A_35, %dma_wait3A_36] : memref<4x3072xf32, #tpu.memory_space<hbm>> -> memref<4x1024xf32, #tpu.memory_space<hbm>>
        %dma_wait3A_38 = arith.constant 0 : i32
        %dma_wait3A_39 = arith.constant 0 : i32
        %dma_wait3A_40 = tpu.memref_slice %arg5[%dma_wait3A_38, %dma_wait3A_39] : memref<4x3072xf32, #tpu.memory_space<hbm>> -> memref<4x1024xf32, #tpu.memory_space<hbm>>
        tpu.wait_dma2 semaphore(%run_scoped3A : memref<!tpu.dma_semaphore, #tpu.memory_space<semaphore_mem>>) src(%arg8 : memref<4x1024xf32, #tpu.memory_space<vmem>>) dst(%dma_wait3A_40 : memref<4x1024xf32, #tpu.memory_space<hbm>>)
        tpu.yield
      }) : () -> ()
    } else {
    }
    %eq3A_8 = arith.constant 1 : i32
    %eq3A_9 = arith.cmpi eq, %arg1, %eq3A_8 : i32
    %convert_element_type3A_10 = arith.extui %eq3A_9 : i1 to i32
    %cond3A_11 = arith.constant 0 : i32
    %cond3A_12 = arith.cmpi ne, %convert_element_type3A_10, %cond3A_11 : i32
    scf.if %cond3A_12 {
      "tpu.region"() ({
        %run_scoped3A = tpu.sem_alloc : memref<!tpu.dma_semaphore, #tpu.memory_space<semaphore_mem>>
        %dma_start3A_32 = arith.constant 8 : i32
        %dma_start3A_33 = tpu.memref_slice %arg6[%dma_start3A_32] : memref<16xi32, #tpu.memory_space<vmem>> -> memref<4xi32, #tpu.memory_space<vmem>>
        %dma_start3A_34 = arith.constant 8 : i32
        %dma_start3A_35 = tpu.memref_slice %arg6[%dma_start3A_34] : memref<16xi32, #tpu.memory_space<vmem>> -> memref<4xi32, #tpu.memory_space<vmem>>
        tpu.enqueue_dma source(%arg3 : memref<4xi32, #tpu.memory_space<hbm>>) target(%dma_start3A_35 : memref<4xi32, #tpu.memory_space<vmem>>) target_semaphore(%run_scoped3A : memref<!tpu.dma_semaphore, #tpu.memory_space<semaphore_mem>>)
        %dma_wait3A_36 = arith.constant 8 : i32
        %dma_wait3A_37 = tpu.memref_slice %arg6[%dma_wait3A_36] : memref<16xi32, #tpu.memory_space<vmem>> -> memref<4xi32, #tpu.memory_space<vmem>>
        %dma_wait3A_38 = arith.constant 8 : i32
        %dma_wait3A_39 = tpu.memref_slice %arg6[%dma_wait3A_38] : memref<16xi32, #tpu.memory_space<vmem>> -> memref<4xi32, #tpu.memory_space<vmem>>
        tpu.wait_dma2 semaphore(%run_scoped3A : memref<!tpu.dma_semaphore, #tpu.memory_space<semaphore_mem>>) src(%arg3 : memref<4xi32, #tpu.memory_space<hbm>>) dst(%dma_wait3A_39 : memref<4xi32, #tpu.memory_space<vmem>>)
        tpu.yield
      }) : () -> ()
      %get3A = arith.constant 0 : index
      %get3A_18 = tpu.vector_load %arg6[%get3A] {strides = array<i32>} : memref<16xi32, #tpu.memory_space<vmem>>, vector<16xi32>,
      %get3A_19 = vector.shape_cast %get3A_18 : vector<16xi32> to vector<16xi32>
      %add3A_20 = arith.addi %add3A_5, %get3A_19 : vector<16xi32>
      %swap3A = arith.constant 0 : index
      %swap3A_21 = tpu.vector_load %arg7[%swap3A] {strides = array<i32>} : memref<16xi32, #tpu.memory_space<vmem>>, vector<16xi32>,
      %swap3A_22 = vector.shape_cast %swap3A_21 : vector<16xi32> to vector<16xi32>
      %swap3A_23 = vector.shape_cast %add3A_20 : vector<16xi32> to vector<16xi32>
      tpu.vector_store %arg7[%swap3A], %swap3A_23 {strides = array<i32>} : memref<16xi32, #tpu.memory_space<vmem>>, vector<16xi32>,
      %dma_start3A = arith.constant 8 : i32
      %dma_start3A_24 = tpu.memref_slice %arg7[%dma_start3A] : memref<16xi32, #tpu.memory_space<vmem>> -> memref<4xi32, #tpu.memory_space<vmem>>
      %dma_start3A_25 = arith.constant 0 : i32
      %dma_start3A_26 = arith.constant 0 : i32
      %dma_start3A_27 = tpu.memref_slice %arg2[%dma_start3A_25, %dma_start3A_26] : memref<16384x1024xf32, #tpu.memory_space<hbm>> -> memref<16384x1024xf32, #tpu.memory_space<hbm>>
      tpu.enqueue_indirect_dma source(%dma_start3A_27 : memref<16384x1024xf32, #tpu.memory_space<hbm>>) target(%arg8 : memref<4x1024xf32, #tpu.memory_space<vmem>>) offsets(%dma_start3A_24 : memref<4xi32, #tpu.memory_space<vmem>>) semaphore(%arg9 : memref<!tpu.dma_semaphore, #tpu.memory_space<semaphore_mem>>)
      %dma_wait3A = arith.constant 8 : i32
      %dma_wait3A_28 = tpu.memref_slice %arg7[%dma_wait3A] : memref<16xi32, #tpu.memory_space<vmem>> -> memref<4xi32, #tpu.memory_space<vmem>>
      %dma_wait3A_29 = arith.constant 0 : i32
      %dma_wait3A_30 = arith.constant 0 : i32
      %dma_wait3A_31 = tpu.memref_slice %arg2[%dma_wait3A_29, %dma_wait3A_30] : memref<16384x1024xf32, #tpu.memory_space<hbm>> -> memref<16384x1024xf32, #tpu.memory_space<hbm>>
      tpu.wait_indirect_dma semaphore(%arg9 : memref<!tpu.dma_semaphore, #tpu.memory_space<semaphore_mem>>) src(%dma_wait3A_31 : memref<16384x1024xf32, #tpu.memory_space<hbm>>) dst(%arg8 : memref<4x1024xf32, #tpu.memory_space<vmem>>)
      "tpu.region"() ({
        %run_scoped3A = tpu.sem_alloc : memref<!tpu.dma_semaphore, #tpu.memory_space<semaphore_mem>>
        %dma_start3A_32 = arith.constant 0 : i32
        %dma_start3A_33 = arith.constant 1024 : i32
        %dma_start3A_34 = tpu.memref_slice %arg5[%dma_start3A_32, %dma_start3A_33] : memref<4x3072xf32, #tpu.memory_space<hbm>> -> memref<4x1024xf32, #tpu.memory_space<hbm>>
        %dma_start3A_35 = arith.constant 0 : i32
        %dma_start3A_36 = arith.constant 1024 : i32
        %dma_start3A_37 = tpu.memref_slice %arg5[%dma_start3A_35, %dma_start3A_36] : memref<4x3072xf32, #tpu.memory_space<hbm>> -> memref<4x1024xf32, #tpu.memory_space<hbm>>
        tpu.enqueue_dma source(%arg8 : memref<4x1024xf32, #tpu.memory_space<vmem>>) target(%dma_start3A_37 : memref<4x1024xf32, #tpu.memory_space<hbm>>) target_semaphore(%run_scoped3A : memref<!tpu.dma_semaphore, #tpu.memory_space<semaphore_mem>>)
        %dma_wait3A_38 = arith.constant 0 : i32
        %dma_wait3A_39 = arith.constant 1024 : i32
        %dma_wait3A_40 = tpu.memref_slice %arg5[%dma_wait3A_38, %dma_wait3A_39] : memref<4x3072xf32, #tpu.memory_space<hbm>> -> memref<4x1024xf32, #tpu.memory_space<hbm>>
        %dma_wait3A_41 = arith.constant 0 : i32
        %dma_wait3A_42 = arith.constant 1024 : i32
        %dma_wait3A_43 = tpu.memref_slice %arg5[%dma_wait3A_41, %dma_wait3A_42] : memref<4x3072xf32, #tpu.memory_space<hbm>> -> memref<4x1024xf32, #tpu.memory_space<hbm>>
        tpu.wait_dma2 semaphore(%run_scoped3A : memref<!tpu.dma_semaphore, #tpu.memory_space<semaphore_mem>>) src(%arg8 : memref<4x1024xf32, #tpu.memory_space<vmem>>) dst(%dma_wait3A_43 : memref<4x1024xf32, #tpu.memory_space<hbm>>)
        tpu.yield
      }) : () -> ()
    } else {
    }
    %eq3A_13 = arith.constant 2 : i32
    %eq3A_14 = arith.cmpi eq, %arg1, %eq3A_13 : i32
    %convert_element_type3A_15 = arith.extui %eq3A_14 : i1 to i32
    %cond3A_16 = arith.constant 0 : i32
    %cond3A_17 = arith.cmpi ne, %convert_element_type3A_15, %cond3A_16 : i32
    scf.if %cond3A_17 {
      "tpu.region"() ({
        %run_scoped3A = tpu.sem_alloc : memref<!tpu.dma_semaphore, #tpu.memory_space<semaphore_mem>>
        %dma_start3A_32 = arith.constant 8 : i32
        %dma_start3A_33 = tpu.memref_slice %arg6[%dma_start3A_32] : memref<16xi32, #tpu.memory_space<vmem>> -> memref<4xi32, #tpu.memory_space<vmem>>
        %dma_start3A_34 = arith.constant 8 : i32
        %dma_start3A_35 = tpu.memref_slice %arg6[%dma_start3A_34] : memref<16xi32, #tpu.memory_space<vmem>> -> memref<4xi32, #tpu.memory_space<vmem>>
        tpu.enqueue_dma source(%arg4 : memref<4xi32, #tpu.memory_space<hbm>>) target(%dma_start3A_35 : memref<4xi32, #tpu.memory_space<vmem>>) target_semaphore(%run_scoped3A : memref<!tpu.dma_semaphore, #tpu.memory_space<semaphore_mem>>)
        %dma_wait3A_36 = arith.constant 8 : i32
        %dma_wait3A_37 = tpu.memref_slice %arg6[%dma_wait3A_36] : memref<16xi32, #tpu.memory_space<vmem>> -> memref<4xi32, #tpu.memory_space<vmem>>
        %dma_wait3A_38 = arith.constant 8 : i32
        %dma_wait3A_39 = tpu.memref_slice %arg6[%dma_wait3A_38] : memref<16xi32, #tpu.memory_space<vmem>> -> memref<4xi32, #tpu.memory_space<vmem>>
        tpu.wait_dma2 semaphore(%run_scoped3A : memref<!tpu.dma_semaphore, #tpu.memory_space<semaphore_mem>>) src(%arg4 : memref<4xi32, #tpu.memory_space<hbm>>) dst(%dma_wait3A_39 : memref<4xi32, #tpu.memory_space<vmem>>)
        tpu.yield
      }) : () -> ()
      %get3A = arith.constant 0 : index
      %get3A_18 = tpu.vector_load %arg6[%get3A] {strides = array<i32>} : memref<16xi32, #tpu.memory_space<vmem>>, vector<16xi32>,
      %get3A_19 = vector.shape_cast %get3A_18 : vector<16xi32> to vector<16xi32>
      %add3A_20 = arith.addi %add3A_5, %get3A_19 : vector<16xi32>
      %swap3A = arith.constant 0 : index
      %swap3A_21 = tpu.vector_load %arg7[%swap3A] {strides = array<i32>} : memref<16xi32, #tpu.memory_space<vmem>>, vector<16xi32>,
      %swap3A_22 = vector.shape_cast %swap3A_21 : vector<16xi32> to vector<16xi32>
      %swap3A_23 = vector.shape_cast %add3A_20 : vector<16xi32> to vector<16xi32>
      tpu.vector_store %arg7[%swap3A], %swap3A_23 {strides = array<i32>} : memref<16xi32, #tpu.memory_space<vmem>>, vector<16xi32>,
      %dma_start3A = arith.constant 8 : i32
      %dma_start3A_24 = tpu.memref_slice %arg7[%dma_start3A] : memref<16xi32, #tpu.memory_space<vmem>> -> memref<4xi32, #tpu.memory_space<vmem>>
      %dma_start3A_25 = arith.constant 0 : i32
      %dma_start3A_26 = arith.constant 0 : i32
      %dma_start3A_27 = tpu.memref_slice %arg2[%dma_start3A_25, %dma_start3A_26] : memref<16384x1024xf32, #tpu.memory_space<hbm>> -> memref<16384x1024xf32, #tpu.memory_space<hbm>>
      tpu.enqueue_indirect_dma source(%dma_start3A_27 : memref<16384x1024xf32, #tpu.memory_space<hbm>>) target(%arg8 : memref<4x1024xf32, #tpu.memory_space<vmem>>) offsets(%dma_start3A_24 : memref<4xi32, #tpu.memory_space<vmem>>) semaphore(%arg9 : memref<!tpu.dma_semaphore, #tpu.memory_space<semaphore_mem>>)
      %dma_wait3A = arith.constant 8 : i32
      %dma_wait3A_28 = tpu.memref_slice %arg7[%dma_wait3A] : memref<16xi32, #tpu.memory_space<vmem>> -> memref<4xi32, #tpu.memory_space<vmem>>
      %dma_wait3A_29 = arith.constant 0 : i32
      %dma_wait3A_30 = arith.constant 0 : i32
      %dma_wait3A_31 = tpu.memref_slice %arg2[%dma_wait3A_29, %dma_wait3A_30] : memref<16384x1024xf32, #tpu.memory_space<hbm>> -> memref<16384x1024xf32, #tpu.memory_space<hbm>>
      tpu.wait_indirect_dma semaphore(%arg9 : memref<!tpu.dma_semaphore, #tpu.memory_space<semaphore_mem>>) src(%dma_wait3A_31 : memref<16384x1024xf32, #tpu.memory_space<hbm>>) dst(%arg8 : memref<4x1024xf32, #tpu.memory_space<vmem>>)
      "tpu.region"() ({
        %run_scoped3A = tpu.sem_alloc : memref<!tpu.dma_semaphore, #tpu.memory_space<semaphore_mem>>
        %dma_start3A_32 = arith.constant 0 : i32
        %dma_start3A_33 = arith.constant 2048 : i32
        %dma_start3A_34 = tpu.memref_slice %arg5[%dma_start3A_32, %dma_start3A_33] : memref<4x3072xf32, #tpu.memory_space<hbm>> -> memref<4x1024xf32, #tpu.memory_space<hbm>>
        %dma_start3A_35 = arith.constant 0 : i32
        %dma_start3A_36 = arith.constant 2048 : i32
        %dma_start3A_37 = tpu.memref_slice %arg5[%dma_start3A_35, %dma_start3A_36] : memref<4x3072xf32, #tpu.memory_space<hbm>> -> memref<4x1024xf32, #tpu.memory_space<hbm>>
        tpu.enqueue_dma source(%arg8 : memref<4x1024xf32, #tpu.memory_space<vmem>>) target(%dma_start3A_37 : memref<4x1024xf32, #tpu.memory_space<hbm>>) target_semaphore(%run_scoped3A : memref<!tpu.dma_semaphore, #tpu.memory_space<semaphore_mem>>)
        %dma_wait3A_38 = arith.constant 0 : i32
        %dma_wait3A_39 = arith.constant 2048 : i32
        %dma_wait3A_40 = tpu.memref_slice %arg5[%dma_wait3A_38, %dma_wait3A_39] : memref<4x3072xf32, #tpu.memory_space<hbm>> -> memref<4x1024xf32, #tpu.memory_space<hbm>>
        %dma_wait3A_41 = arith.constant 0 : i32
        %dma_wait3A_42 = arith.constant 2048 : i32
        %dma_wait3A_43 = tpu.memref_slice %arg5[%dma_wait3A_41, %dma_wait3A_42] : memref<4x3072xf32, #tpu.memory_space<hbm>> -> memref<4x1024xf32, #tpu.memory_space<hbm>>
        tpu.wait_dma2 semaphore(%run_scoped3A : memref<!tpu.dma_semaphore, #tpu.memory_space<semaphore_mem>>) src(%arg8 : memref<4x1024xf32, #tpu.memory_space<vmem>>) dst(%dma_wait3A_43 : memref<4x1024xf32, #tpu.memory_space<hbm>>)
        tpu.yield
      }) : () -> ()
    } else {
    }
    return
  }
}

</mosaic_0001>

<sc_bundles>
// kernel: kernel.3.cloned.1.call-start
scs
__scs_entry_jumppad:
0x0: {  	(pc) =	sbr.rel $0x88, $3  }
0x1: {  	(tag) =	ssettag $0x0;
	lr =	simm.s32 $0x1  }
0x2: {  	[smem:$0x3F9E] =	sst lr;
	_ =	strace $0xD0000000  }
0x3: {  	_ = 	snop  }
0x4: {  	_ = 	snop  }
0x5: {  	_ = 	snop  }
0x6: {  	_ = 	snop  }
0x7: {  	_ = 	snop  }
__scs_overlays_trampoline_lowered:
0x8: {  	[smem:$0x3FAD] =	sst s0  }
0x9: {  	[smem:$0x3FAE] =	sst s1  }
0xa: {  	[smem:$0x3FAF] =	sst s2  }
0xb: {  	[smem:$0x3FB0] =	sst s3  }
0xc: {  	[smem:$0x3FB1] =	sst s4  }
0xd: {  	[smem:$0x3FB2] =	sst s5  }
0xe: {  	[smem:$0x3FB3] =	sst s6  }
0xf: {  	[smem:$0x3FB4] =	sst s7  }
0x10: {  	[smem:$0x3FB5] =	sst s8  }
0x11: {  	[smem:$0x3FB6] =	sst s9;
	s0 =	simm.s32 @!p0 $0x0  }
0x12: {  	s1 =	sld [smem:$0x3F9C];
	s0 =	simm.s32 @p0 $0x1  }
0x13: {  	[smem:$0x3FB7] =	sst s0;
	s0 =	simm.s32 @!p1 $0x0  }
0x14: {  	s2 =	sld [smem:$0x3F9B];
	s0 =	simm.s32 @p1 $0x1  }
0x15: {  	[smem:$0x3FB8] =	sst s0;
	s0 =	simm.s32 @!p2 $0x0  }
0x16: {  	s3 =	sld [smem:$0x3FDB];
	s0 =	simm.s32 @p2 $0x1  }
0x17: {  	s4 =	simm.s32 $0x1BF5;
	[smem:$0x3FBA] =	sst s0  }
0x18: {  	s0 =	sld [smem:$0x3F9D];
	_ =	swait.ge [sflag:s4], $0x0  }
0x19: {  	s7 =	sld [smem:$0x3F9E]  }
0x1a: {  	s8 =	sadd.s32 $0xFFFFE003, lr  }
0x1b: {  	s9 =	sadd.s32 $0xFFFFFEF7, lr;
	s5 =	simm.s32 $0xFFFFFFFF;
	p2 =	slt.u32 s8, $0xFFFFF086  }
0x1c: {  	p1 =	slt.u32 s9, $0xF7A;
	s5 =	simm.s32 @!p2 $0x0  }
0x1d: {  	s5 =	simm.s32 @p1 $0x1;
	p0 =	seq.s32 s7, s2  }
0x1e: {  	s7 =	smul.u32 @!p0 $0xF7A, s2;
	p2 =	seq.s32 @!p0 s5, $0x0  }
0x1f: {  	s9 =	smul.u32 $0xF7A, s1;
	s8 =	simm.s32 @!p0 $0x1BF5;
	p2 =	por !p2, p0  }
0x20: {  	[sflag:s8] =	ssyncset.s32 @!p0 $0xFFFFF086;
	s6 =	sadd.s32 @!p0 s3, s7;
	s7 =	simm.s32 @!p0 $0x108  }
0x21: {  	s3 =	sadd.s32 s3, s9;
	s6 =	sadd.s32 @!p0 $0x88, s6;
	s7 =	simm.s32 @p2 $0x1082  }
0x22: {  	[simem:s7], [sflag:s8] =	dma.local @!p0 [hbm:s6], $0xF7A  }
0x23: {  	s9 =	sor.u32 $0xD0000000, s2;
	s6 =	simm.s32 $0x108;
	_ =	swait.ge @!p0 [sflag:s8], $0x0  }
0x24: {  	s3 =	sadd.s32 $0x88, s3;
	s6 =	simm.s32 @!p1 $0x1082;
	[sflag:s4] =	ssyncset.s32 $0xFFFFF086  }
0x25: {  	[simem:s6], [sflag:s4] =	dma.local [hbm:s3], $0xF7A  }
0x26: {  	[smem:$0x3F9E] =	sst s1;
	(tag) =	ssettag s2;
	_ =	strace s9  }
0x27: {  	s1 =	sld [smem:$0x3FAE]  }
0x28: {  	s2 =	sld [smem:$0x3FAF]  }
0x29: {  	s4 =	sld [smem:$0x3FB1]  }
0x2a: {  	p0 =	seq.s32 s5, $0x0;
	s5 =	sld [smem:$0x3FB2]  }
0x2b: {  	s6 =	sld [smem:$0x3FB3]  }
0x2c: {  	s7 =	sld [smem:$0x3FB4]  }
0x2d: {  	s3 =	simm.s32 $0x108;
	s8 =	sld [smem:$0x3FB5]  }
0x2e: {  	s3 =	simm.s32 @!p0 $0x1082;
	s9 =	sld [smem:$0x3FB6]  }
0x2f: {  	lr =	sadd.s32 s0, s3;
	s0 =	sld [smem:$0x3FAD]  }
0x30: {  	s3 =	sld [smem:$0x3FB0]  }
0x31: {  	[smem:$0x3FB9] =	sst s10  }
0x32: {  	s10 =	sld [smem:$0x3FB7];
	_ =	sdelay $0x3  }
0x33: {  	p0 =	seq.s32 s10, $0x1;
	s10 =	sld [smem:$0x3FB9];
	_ =	sdelay $0x3  }
0x34: {  	[smem:$0x3FB9] =	sst s10  }
0x35: {  	s10 =	sld [smem:$0x3FB8];
	_ =	sdelay $0x3  }
0x36: {  	p1 =	seq.s32 s10, $0x1;
	s10 =	sld [smem:$0x3FB9];
	_ =	sdelay $0x3  }
0x37: {  	[smem:$0x3FB9] =	sst s10  }
0x38: {  	s10 =	sld [smem:$0x3FBA]  }
0x39: {  	_ = 	snop;
	(pc) =	sbr.ind lr, $3  }
0x3a: {  	_ = 	snop  }
0x3b: {  	_ = 	snop  }
0x3c: {  	p2 =	seq.s32 s10, $0x1;
	s10 =	sld [smem:$0x3FB9]  }
0x3d: {  	_ =	shalt  }
0x3e: {  	_ =	shalt  }
0x3f: {  	_ =	shalt  }
0x40: {  	_ =	shalt  }
0x41: {  	_ =	shalt  }
0x42: {  	_ =	shalt  }
0x43: {  	_ =	shalt  }
0x44: {  	_ =	shalt  }
0x45: {  	_ =	shalt  }
0x46: {  	_ =	shalt  }
0x47: {  	_ =	shalt  }
0x48: {  	_ =	shalt  }
0x49: {  	_ =	shalt  }
0x4a: {  	_ =	shalt  }
0x4b: {  	_ =	shalt  }
0x4c: {  	_ =	shalt  }
0x4d: {  	_ =	shalt  }
0x4e: {  	_ =	shalt  }
0x4f: {  	_ =	shalt  }
0x50: {  	_ =	shalt  }
0x51: {  	_ =	shalt  }
0x52: {  	_ =	shalt  }
0x53: {  	_ =	shalt  }
0x54: {  	_ =	shalt  }
0x55: {  	_ =	shalt  }
0x56: {  	_ =	shalt  }
0x57: {  	_ =	shalt  }
0x58: {  	_ =	shalt  }
0x59: {  	_ =	shalt  }
0x5a: {  	_ =	shalt  }
0x5b: {  	_ =	shalt  }
0x5c: {  	_ =	shalt  }
0x5d: {  	_ =	shalt  }
0x5e: {  	_ =	shalt  }
0x5f: {  	_ =	shalt  }
0x60: {  	_ =	shalt  }
0x61: {  	_ =	shalt  }
0x62: {  	_ =	shalt  }
0x63: {  	_ =	shalt  }
0x64: {  	_ =	shalt  }
0x65: {  	_ =	shalt  }
0x66: {  	_ =	shalt  }
0x67: {  	_ =	shalt  }
0x68: {  	_ =	shalt  }
0x69: {  	_ =	shalt  }
0x6a: {  	_ =	shalt  }
0x6b: {  	_ =	shalt  }
0x6c: {  	_ =	shalt  }
0x6d: {  	_ =	shalt  }
0x6e: {  	_ =	shalt  }
0x6f: {  	_ =	shalt  }
0x70: {  	_ =	shalt  }
0x71: {  	_ =	shalt  }
0x72: {  	_ =	shalt  }
0x73: {  	_ =	shalt  }
0x74: {  	_ =	shalt  }
0x75: {  	_ =	shalt  }
0x76: {  	_ =	shalt  }
0x77: {  	_ =	shalt  }
0x78: {  	_ =	shalt  }
0x79: {  	_ =	shalt  }
0x7a: {  	_ =	shalt  }
0x7b: {  	_ =	shalt  }
0x7c: {  	_ =	shalt  }
0x7d: {  	_ =	shalt  }
0x7e: {  	_ =	shalt  }
0x7f: {  	_ =	shalt  }
0x80: {  	_ =	shalt  }
0x81: {  	_ =	shalt  }
0x82: {  	_ =	shalt  }
0x83: {  	_ =	shalt  }
0x84: {  	_ =	shalt  }
0x85: {  	_ =	shalt  }
0x86: {  	_ =	shalt  }
0x87: {  	_ =	shalt  }
.Lfunc_end0:
.L_simem_size_0:
called_computation_lowered:
.L_overlay_start_0:
0x88: {  	s0 =	sld [smem:$0x3FD9]  }
0x89: {  	s1 =	sld [smem:$0x3FFE];
	_ =	sdelay $0x3  }
0x8a: {  	s0 =	sadd.s32 s1, s0  }
0x8b: {  	[smem:$0x3FC5] =	sst s0  }
0x8c: {  	_ = 	snop  }
0x8d: {  	s0 =	sld [smem:$0x3FC9]  }
0x8e: {  	s17 =	sld [smem:$0x3FC8]  }
0x8f: {  	s2 =	sld [smem:$0x3FC7]  }
0x90: {  	s3 =	sld [smem:$0x3FD0];
	(tm) =	ssettm $0x1  }
0x91: {  	s4 =	sld [smem:$0x3FFB];
	_ =	sdelay $0x3  }
0x92: {  	_ =	strace s4  }
0x93: {  	s4 =	sld [smem:$0x3FFC];
	_ =	sdelay $0x3  }
0x94: {  	_ =	strace s4  }
0x95: {  	s4 =	sld [smem:$0x3FFD];
	_ =	sdelay $0x3  }
0x96: {  	_ =	strace s4  }
0x97: {  	_ =	strace $0x8FFFFFFF  }
0x98: {  	s18 =	sld [smem:$0x3FDB];
	_ =	sdelay $0x1  }
0x99: {  	s5 =	simm.s32 $_scs_section_size  }
0x9a: {  	s6 =	simm.s32 $_size__tile_overlayer_lowered;
	s7 =	simm.s32 $_tile_overlayer_lowered  }
0x9b: {  	s21 =	simm.s32 $0x1BFF;
	s20 =	sshll.u32 s7, $0x1;
	s4 =	sadd.s32 s5, s18  }
0x9c: {  	s8 =	simm.s32 $0x0;
	s19 =	sshll.u32 s6, $0x1;
	s6 =	sadd.s32 s20, s4  }
0x9d: {  	[timem:s8], [sflag:s21] =	dma.local [hbm:s6], s19  }
0x9e: {  	_ =	swait.ge [sflag:s21], s19  }
0x9f: {  	s5 =	ssub.s32 $0x0, s19;
	[sflag:s21] =	ssyncset.done $0x0  }
0xa0: {  	[sflag:s21] =	ssyncadd.s32 s5;
	_ =	sdelay $0x1  }
0xa1: {  	s22 =	simm.s32 $0x1B8B  }
0xa2: {  	_ =	swait.ge [sflag:s22], $0x1  }
0xa3: {  	[sflag:s22] =	ssyncset.done $0x0  }
0xa4: {  	s23 =	simm.s32 $0x1B8E;
	[sflag:s22] =	ssyncadd.s32 $0xFFFFFFFF  }
0xa5: {  	s24 =	simm.s32 $execute0_lowered;
	[smem:$0x3FD2] =	sst s23  }
0xa6: {  	s5 =	sshll.u32 s24, $0x1;
	_ =	strace $0x80000046;
	[dreg:$0x1] =	wrdreg $0xFFFFFFFF  }
0xa7: {  	s25 =	simm.s32 $_size_execute0_lowered;
	s4 =	sadd.s32 s4, s5;
	[dreg:$0x0] =	wrdreg $0x0  }
0xa8: {  	s5 =	sshll.u32 s25, $0x1;
	[dreg:$0x2] =	wrdreg s4  }
0xa9: {  	[dreg:$0x3] =	wrdreg s5  }
0xaa: {  	[dreg:$0x4] =	wrdreg $0xC0  }
0xab: {  	_ =	task [dreg:s8], $0x5FFFF  }
0xac: {  	[dreg:$0x1] =	wrdreg $0xFFFFFFFF  }
0xad: {  	[dreg:$0x0] =	wrdreg $0x60  }
0xae: {  	[dreg:$0x2] =	wrdreg s0  }
0xaf: {  	[dreg:$0x3] =	wrdreg s17  }
0xb0: {  	[dreg:$0x4] =	wrdreg s2  }
0xb1: {  	[dreg:$0x5] =	wrdreg s3  }
0xb2: {  	[dreg:$0x6] =	wrdreg $0x9  }
0xb3: {  	_ =	task.clear_ibuf [dreg:s8], $0x7FFFF;
	_ =	strace $0x90000046  }
0xb4: {  	s26 =	simm.s32 $0x9;
	_ =	strace $0x80000048  }
0xb5: {  	_ =	swait.ge [sflag:s26], $0x1  }
0xb6: {  	[sflag:s26] =	ssyncadd.s32 $0xFFFFFFFF  }
0xb7: {  	_ =	strace $0x90000048  }
0xb8: {  	_ =	sfence  }
0xb9: {  	s28 =	sld [smem:$0x0];
	_ =	sdelay $0x1  }
0xba: {  	s29 =	srdreg.scid  }
0xbb: {  	s30 =	sshll.u32 s29, $0xD;
	s31 =	sshrl.u32 s29, $0x2  }
0xbc: {  	s1 =	sand.u32 $0x1, s29;
	s2 =	sand.u32 $0x4000, s30;
	s0 =	sadd.s32 s31, s28  }
0xbd: {  	s1 =	sor.u32 s2, s1;
	s0 =	sshll.u32 s0, $0x11  }
0xbe: {  	s0 =	sor.u32 s0, s1  }
0xbf: {  	s0 =	sadd.s32 $0x8F2B, s0  }
0xc0: {  	[sflag:s0] =	ssyncadd.remote.s32 $0x1  }
0xc1: {  	_ =	sfence.sel $0xFFFF  }
0xc2: {  	[dreg:$0x0] =	wrdreg $0xFFFFFFFF;
	(pc) =	sbr.abs _section_cstart, $3  }
0xc3: {  	[dreg:$0x1] =	wrdreg $0xFFFFFFFF  }
0xc4: {  	_ =	task.clear_ibuf [dreg:s8], $0x2FFFF;
	_ =	strace $0x9FFFFFFF  }
0xc5: {  	(tm) =	ssettm $0x7FFFFFFF  }
tec
execute0_lowered:
.L_overlay_start_1:
0x0: {  	(tag) =	ssettag $0x1  }
0x1: {  	s1 =	stileid.u32  }
0x2: {  	s3 =	rddreg [dreg:$0x0];
	p0 =	sgt.u32 s1, $0x2  }
.Ltmp0:
0x3: {  	s5 =	rddreg [dreg:$0x1];
	(pc) =	sbr.rel @p0 .LBB2_7-.Ltmp0, $4  }
0x4: {  	s6 =	rddreg [dreg:$0x2]  }
0x5: {  	s2 =	rddreg [dreg:$0x3];
	s4 =	simm.s32 $0x0  }
0x6: {  	[smem:$0x7FF] =	sst s4  }
0x7: {  	s0 =	rddreg [dreg:$0x4];
	_ =	strace $0x80000047  }
0x8: {  	p0 =	seq.s32 s1, $0x2  }
.Ltmp1:
0x9: {  	_ = 	snop;
	(pc) =	sbr.rel @p0 .LBB2_5-.Ltmp1, $2  }
0xa: {  	_ =	sdelay $0x2  }
0xb: {  	s4 =	sadd.s32 $0x200, s3  }
0xc: {  	p0 =	seq.s32 s1, $0x1  }
.Ltmp2:
0xd: {  	_ = 	snop;
	(pc) =	sbr.rel @!p0 .LBB2_3-.Ltmp2, $1  }
0xe: {  	_ =	sdelay $0x3  }
0xf: {  	s6 =	simm.s32 $0x0;
	s7 =	simm.s32 $0x8;
	s28 =	simm.s32 $0x2  }
0x10: {  	[tilespmem:s7], [sflag:$0x2] =	stream.linear.gather [hbm4b:s5+s6], $0x4, $0x38;
	[tilespmem:$0x1100] =	vst v63  }
0x11: {  	_ =	swait.ge [sflag:s28], $0x4  }
0x12: {  	[sflag:s28] =	ssyncset.done $0x0  }
0x13: {  	[sflag:s28] =	ssyncadd.s32 $0xFFFFFFFC  }
0x14: {  	v0 =	vld [tilespmem:$0x0]  }
0x15: {  	v1 =	vlaneseq.u32  }
0x16: {  	v2 =	vmul.u32 $0x800, v1;
	_ =	sdelay $0x1  }
0x17: {  	v2 =	vadd.s32 $0xFFFFE000, v2  }
0x18: {  	v0 =	vadd.s32 v2, v0  }
0x19: {  	[tilespmem:$0x80] =	vst v0  }
0x1a: {  	v0 =	vld.msk [tilespmem:$0x88], $0xf;
	_ =	sdelay $0x4  }
0x1b: {  	v62 =	vshll.u32 v0, $0x3  }
0x1c: {  	v0 =	vand.u32 $0x7, v0;
	v2 =	vand.u32 $0xFFFFFFC0, v62  }
0x1d: {  	v63 =	vand.u32 $0x3, v1;
	v1 =	vshrl.u32 v1, $0x2;
	v0 =	vor.u32 v0, v2  }
0x1e: {  	v1 =	vmul.u32 $0x8, v1;
	v0 =	vperm.xlane v0, v63;
	_ =	sdelay $0x1  }
0x1f: {  	v0 =	vadd.s32 v1, v0;
	_ =	sdelay $0x3  }
0x20: {  	vm0 =	vmmov $0xffff;
	s29 =	simm.s32 $0x100  }
0x21: {  	[tilespmem:s29], [sflag:$0x1] =	stream.indirect_vreg.gather [hbm4b:s3+s6], $0x80, v0, vm0, $0xb8;
	[tilespmem:$0x1100] =	vst v63  }
0x22: {  	s30 =	simm.s32 $0x900  }
0x23: {  	[tilespmem:s30], [sflag:$0x1] =	stream.indirect_vreg.gather [hbm4b:s4+s6], $0x80, v0, vm0, $0xb8;
	[tilespmem:$0x1100] =	vst v63  }
.Ltmp3:
0x24: {  	s31 =	simm.s32 $0x1;
	(pc) =	sbr.rel .LBB2_6-.Ltmp3, $4  }
0x25: {  	_ =	swait.ge [sflag:s31], $0x1000  }
0x26: {  	[sflag:s31] =	ssyncset.done $0x0  }
0x27: {  	s2 =	sadd.s32 $0x200, s2;
	[sflag:s31] =	ssyncadd.s32 $0xFFFFF000  }
0x28: {  	[hbm4b:s2+s6] =	stream.linear.scatter [tilespmem:s29], [sflag:$0x2], $0x1000, $0x38;
	[tilespmem:$0x1100] =	vst v63  }
.LBB2_5:
0x29: {  	s5 =	simm.s32 $0x0;
	s7 =	simm.s32 $0x8;
	s28 =	simm.s32 $0x2  }
0x2a: {  	[tilespmem:s7], [sflag:$0x2] =	stream.linear.gather [hbm4b:s6+s5], $0x4, $0x38;
	[tilespmem:$0x1100] =	vst v63  }
0x2b: {  	_ =	swait.ge [sflag:s28], $0x4  }
0x2c: {  	[sflag:s28] =	ssyncset.done $0x0  }
0x2d: {  	[sflag:s28] =	ssyncadd.s32 $0xFFFFFFFC  }
0x2e: {  	v0 =	vld [tilespmem:$0x0]  }
0x2f: {  	v1 =	vlaneseq.u32  }
0x30: {  	v2 =	vmul.u32 $0x800, v1;
	_ =	sdelay $0x1  }
0x31: {  	v2 =	vadd.s32 $0xFFFFE000, v2  }
0x32: {  	v0 =	vadd.s32 v2, v0  }
0x33: {  	[tilespmem:$0x80] =	vst v0  }
0x34: {  	v0 =	vld.msk [tilespmem:$0x88], $0xf;
	_ =	sdelay $0x4  }
0x35: {  	v62 =	vshll.u32 v0, $0x3  }
0x36: {  	v0 =	vand.u32 $0x7, v0;
	v2 =	vand.u32 $0xFFFFFFC0, v62  }
0x37: {  	v63 =	vand.u32 $0x3, v1;
	v1 =	vshrl.u32 v1, $0x2;
	v0 =	vor.u32 v0, v2  }
0x38: {  	v1 =	vmul.u32 $0x8, v1;
	v0 =	vperm.xlane v0, v63;
	_ =	sdelay $0x1  }
0x39: {  	v0 =	vadd.s32 v1, v0;
	_ =	sdelay $0x3  }
0x3a: {  	vm0 =	vmmov $0xffff;
	s29 =	simm.s32 $0x100  }
0x3b: {  	[tilespmem:s29], [sflag:$0x1] =	stream.indirect_vreg.gather [hbm4b:s3+s5], $0x80, v0, vm0, $0xb8;
	[tilespmem:$0x1100] =	vst v63  }
0x3c: {  	s30 =	simm.s32 $0x900  }
0x3d: {  	[tilespmem:s30], [sflag:$0x1] =	stream.indirect_vreg.gather [hbm4b:s4+s5], $0x80, v0, vm0, $0xb8;
	[tilespmem:$0x1100] =	vst v63  }
.Ltmp4:
0x3e: {  	s31 =	simm.s32 $0x1;
	(pc) =	sbr.rel .LBB2_6-.Ltmp4, $4  }
0x3f: {  	_ =	swait.ge [sflag:s31], $0x1000  }
0x40: {  	[sflag:s31] =	ssyncset.done $0x0  }
0x41: {  	s2 =	sadd.s32 $0x400, s2;
	[sflag:s31] =	ssyncadd.s32 $0xFFFFF000  }
0x42: {  	[hbm4b:s2+s5] =	stream.linear.scatter [tilespmem:s29], [sflag:$0x2], $0x1000, $0x38;
	[tilespmem:$0x1100] =	vst v63  }
.LBB2_3:
0x43: {  	v0 =	vlaneseq.u32  }
0x44: {  	v1 =	vmul.u32 $0x800, v0;
	_ =	sdelay $0x1  }
0x45: {  	v1 =	vadd.s32 $0xFFFFE000, v1  }
0x46: {  	[tilespmem:$0x80] =	vst v1  }
0x47: {  	v1 =	vld.msk [tilespmem:$0x88], $0xf;
	_ =	sdelay $0x4  }
0x48: {  	v2 =	vshll.u32 v1, $0x3  }
0x49: {  	v1 =	vand.u32 $0x7, v1;
	v2 =	vand.u32 $0xFFFFFFC0, v2  }
0x4a: {  	v63 =	vand.u32 $0x3, v0;
	v0 =	vshrl.u32 v0, $0x2;
	v1 =	vor.u32 v1, v2  }
0x4b: {  	v0 =	vmul.u32 $0x8, v0;
	v1 =	vperm.xlane v1, v63;
	_ =	sdelay $0x1  }
0x4c: {  	v0 =	vadd.s32 v0, v1;
	_ =	sdelay $0x3  }
0x4d: {  	vm0 =	vmmov $0xffff;
	s5 =	simm.s32 $0x0;
	s6 =	simm.s32 $0x100  }
0x4e: {  	[tilespmem:s6], [sflag:$0x1] =	stream.indirect_vreg.gather [hbm4b:s3+s5], $0x80, v0, vm0, $0xb8;
	[tilespmem:$0x1100] =	vst v63  }
0x4f: {  	s30 =	simm.s32 $0x900;
	s31 =	simm.s32 $0x1  }
0x50: {  	[tilespmem:s30], [sflag:$0x1] =	stream.indirect_vreg.gather [hbm4b:s4+s5], $0x80, v0, vm0, $0xb8;
	[tilespmem:$0x1100] =	vst v63  }
0x51: {  	_ =	swait.ge [sflag:s31], $0x1000  }
0x52: {  	[sflag:s31] =	ssyncset.done $0x0  }
0x53: {  	[sflag:s31] =	ssyncadd.s32 $0xFFFFF000  }
0x54: {  	[hbm4b:s2+s5] =	stream.linear.scatter [tilespmem:s6], [sflag:$0x2], $0x1000, $0x38;
	[tilespmem:$0x1100] =	vst v63  }
.LBB2_6:
0x55: {  	s2 =	simm.s32 $0x2  }
0x56: {  	_ =	swait.ge [sflag:s2], $0x1000  }
0x57: {  	[sflag:s2] =	ssyncset.done $0x0  }
0x58: {  	[sflag:s2] =	ssyncadd.s32 $0xFFFFF000  }
.LBB2_7:
0x59: {  	_ =	sfence.sel $0x180000  }
0x5a: {  	[bflag:$0x0] =	sbarrier.arrive $0xFFFF  }
0x5b: {  	p0 =	sne.s32 s1, $0x0;
	_ =	strace $0x90000047  }
0x5c: {  	s0 =	sadd.s32 @!p0 $0x100000, s0;
	[bflag:$0x2] =	sbarrier.arrive $0xFFFF  }
0x5d: {  	[sflag:s0] =	ssyncadd.tile.s32 @!p0 $0x1;
	_ =	shalt  }
.Lfunc_end2:
_tile_overlayer_lowered:
.L_overlay_start_2:
0x5e: {  	(tag) =	ssettag $0x2  }
0x5f: {  	s0 =	rddreg [dreg:$0x0];
	s2 =	stileid.u32  }
0x60: {  	s1 =	rddreg [dreg:$0x1];
	p0 =	sne.s32 s2, $0x0  }
0x61: {  	s3 =	rddreg [dreg:$0x2];
	[bflag:$0x3] =	sbarrier.arrive $0xFFFF;
	s2 =	simm.s32 @!p0 $0x1C02  }
0x62: {  	[timem:s3], [sflag:s2] =	dma.local @!p0 [hbm:s0], s1  }
0x63: {  	s0 =	simm.s32 @!p0 $0x2  }
0x64: {  	_ =	swait.ge @!p0 [sflag:s0], s1  }
0x65: {  	s1 =	ssub.s32 @!p0 $0x0, s1;
	[sflag:s0] =	ssyncset.done @!p0 $0x0  }
0x66: {  	[sflag:s0] =	ssyncadd.s32 @!p0 s1  }
0x67: {  	[bflag:$0x3] =	sbarrier.arrive $0xFFFF  }
0x68: {  	_ =	shalt  }

</sc_bundles>
